<compile_context>
chip_gen: v7x
topology: tpu7x:2x2x1
jax: 0.10.2.dev20260603
libtpu: 0.0.44.dev20260713+nightly
codegen_flags: <defaults>
</compile_context>

<pallas_src>
import jax
import jax.numpy as jnp
from jax import lax
from jax.experimental import pallas as pl
from jax.experimental.pallas import tpu as pltpu
from jax.experimental.pallas import tpu_sc as plsc

LEN_ROW = 500
LEN_COL = 200
EMBED_DIM = 128
SEM_DIM = 64
BATCH = 16384

NC = 2
NS = 16
NW = NC * NS
B_PER_W = BATCH // NW
CHUNK = 128
N_CHUNKS = B_PER_W // CHUNK


def _gather_body(i_hbm, j_hbm, table_hbm, out_hbm, i_v, j_v, idx_v, rows_v, sem, sem_ij):
    wid = lax.axis_index("s") * NC + lax.axis_index("c")
    base = wid * B_PER_W

    cp_i = pltpu.make_async_copy(i_hbm.at[pl.ds(base, B_PER_W)], i_v, sem_ij)
    cp_j = pltpu.make_async_copy(j_hbm.at[pl.ds(base, B_PER_W)], j_v, sem_ij)
    cp_i.start()
    cp_j.start()
    cp_i.wait()
    cp_j.wait()

    copies = []
    for c in range(N_CHUNKS):

        def _idx_step(s, _):
            vi = i_v[pl.ds(s * 16, 16)]
            vj = j_v[pl.ds(s * 16, 16)]
            idx_v[pl.ds(s * 16, 16)] = vi * LEN_COL + vj
            return ()

        lax.fori_loop(c * (CHUNK // 16), (c + 1) * (CHUNK // 16), _idx_step, ())
        cp = pltpu.make_async_copy(
            table_hbm.at[idx_v.at[pl.ds(c * CHUNK, CHUNK)]],
            rows_v.at[pl.ds(c * CHUNK, CHUNK)],
            sem,
        )
        cp.start()
        copies.append(cp)

    for cp in copies:
        cp.wait()

    pltpu.sync_copy(rows_v, out_hbm.at[pl.ds(base, B_PER_W)])


def _sc_gather(i, j, table):
    mesh = plsc.VectorSubcoreMesh(core_axis_name="c", subcore_axis_name="s")
    return pl.kernel(
        _gather_body,
        out_type=jax.ShapeDtypeStruct((BATCH, EMBED_DIM), jnp.float32),
        mesh=mesh,
        scratch_types=[
            pltpu.VMEM((B_PER_W,), jnp.int32),
            pltpu.VMEM((B_PER_W,), jnp.int32),
            pltpu.VMEM((B_PER_W,), jnp.int32),
            pltpu.VMEM((B_PER_W, EMBED_DIM), jnp.float32),
            pltpu.SemaphoreType.DMA,
            pltpu.SemaphoreType.DMA,
        ],
        compiler_params=pltpu.CompilerParams(use_tc_tiling_on_sc=True),
    )(i, j, table)


BLK = 8192


def _matmul_body(x_ref, w_ref, b_ref, o_ref):
    o_ref[...] = (
        lax.dot_general(
            w_ref[...],
            x_ref[...],
            (((1,), (1,)), ((), ())),
            preferred_element_type=jnp.float32,
        )
        + b_ref[...]
    )


def _tc_project_t(x, W, b2d):
    return pl.pallas_call(
        _matmul_body,
        grid=(BATCH // BLK,),
        in_specs=[
            pl.BlockSpec((BLK, EMBED_DIM), lambda g: (g, 0)),
            pl.BlockSpec((SEM_DIM, EMBED_DIM), lambda g: (0, 0)),
            pl.BlockSpec((SEM_DIM, 1), lambda g: (0, 0)),
        ],
        out_specs=pl.BlockSpec((SEM_DIM, BLK), lambda g: (0, g)),
        out_shape=jax.ShapeDtypeStruct((SEM_DIM, BATCH), jnp.float32),
    )(x, W, b2d)


def kernel(i, j, embedding, W, b):
    table = embedding.reshape(LEN_ROW * LEN_COL, EMBED_DIM)
    rows = _sc_gather(i.astype(jnp.int32), j.astype(jnp.int32), table)
    return _tc_project_t(rows, W, b.reshape(SEM_DIM, 1)).T

# --- scband reference (transcript-rebuilt; emitter-appended) ---
"""Pipeline reference for scband-semantic-view-74629351736021 (READ-ONLY COPY).

The authoritative reference and input builder live on the scoring server;
editing this copy changes nothing except your own understanding.
"""

import jax, jax.numpy as jnp
import numpy as np

LEN_ROW = 500
LEN_COL = 200
EMBED_DIM = 128
SEM_DIM = 64
BATCH = 16384


def setup_inputs(seed: int = 0) -> dict:
    key = jax.random.key(seed)
    k1, k2, k3, k4, k5 = jax.random.split(key, 5)
    i = jax.random.randint(k1, (BATCH,), 0, LEN_ROW, dtype=jnp.int64 if jax.config.jax_enable_x64 else jnp.int32)
    j = jax.random.randint(k2, (BATCH,), 0, LEN_COL, dtype=jnp.int64 if jax.config.jax_enable_x64 else jnp.int32)
    # Pretrained LINE embeddings reshaped to the (len_row, len_column, embed_dim) grid.
    # Original init: uniform(-0.5, 0.5) / embed_dim
    embedding = (jax.random.uniform(k3, (LEN_ROW, LEN_COL, EMBED_DIM), dtype=jnp.float32) - 0.5) / EMBED_DIM
    # nn.Linear(embed_dim, semantic_dim): weight [out, in], bias [out]
    bound = 1.0 / np.sqrt(EMBED_DIM)
    W = jax.random.uniform(k4, (SEM_DIM, EMBED_DIM), dtype=jnp.float32, minval=-bound, maxval=bound)
    b = jax.random.uniform(k5, (SEM_DIM,), dtype=jnp.float32, minval=-bound, maxval=bound)
    return {"i": i, "j": j, "embedding": embedding, "W": W, "b": b}


def reference(i, j, embedding, W, b):
    # forward(i, j): self.fc(self.embedding[i, j, :])
    e = embedding[i, j, :]  # gather -> [BATCH, EMBED_DIM]
    out = e @ W.T + b       # nn.Linear -> [BATCH, SEM_DIM]
    return out

if __name__ == "__main__":
    import jax
    _d = setup_inputs()
    print(jax.jit(kernel)(*tuple(_d.values())))

</pallas_src>

<mosaic_0001>
#map = affine_map<(d0, d1) -> (0)>
#map1 = affine_map<(d0, d1) -> (0, 0)>
module attributes {stable_mosaic.version = 14 : i64} {
  func.func @_gather_body(%arg0: i32, %arg1: i32, %arg2: memref<16384xi32, #tpu.memory_space<hbm>>, %arg3: memref<16384xi32, #tpu.memory_space<hbm>>, %arg4: memref<100000x128xf32, #tpu.memory_space<hbm>>, %arg5: memref<16384x128xf32, #tpu.memory_space<hbm>>, %arg6: memref<512xi32, #tpu.memory_space<vmem>>, %arg7: memref<512xi32, #tpu.memory_space<vmem>>, %arg8: memref<512xi32, #tpu.memory_space<vmem>>, %arg9: memref<512x128xf32, #tpu.memory_space<vmem>>, %arg10: memref<!tpu.dma_semaphore, #tpu.memory_space<semaphore_mem>>, %arg11: memref<!tpu.dma_semaphore, #tpu.memory_space<semaphore_mem>>) attributes {dimension_semantics = [#tpu.dimension_semantics<core_parallel>, #tpu.dimension_semantics<subcore_parallel>], iteration_bounds = array<i64: 2, 16>, scalar_prefetch = 0 : i64, scratch_operands = 6 : i64, tpu.core_type = #tpu.core_type<sc_vector_subcore>, window_params = [{transform_indices = #map}, {transform_indices = #map}, {transform_indices = #map1}, {transform_indices = #map1}]} {
    %mul3A = arith.constant 2 : i32
    %mul3A_0 = arith.muli %arg1, %mul3A : i32
    %add3A = arith.addi %mul3A_0, %arg0 : i32
    %mul3A_1 = arith.constant 512 : i32
    %mul3A_2 = arith.muli %add3A, %mul3A_1 : i32
    %dma_start3A = tpu.memref_slice %arg2[%mul3A_2] : memref<16384xi32, #tpu.memory_space<hbm>> -> memref<512xi32, #tpu.memory_space<hbm>>
    %dma_start3A_3 = tpu.memref_slice %arg2[%mul3A_2] : memref<16384xi32, #tpu.memory_space<hbm>> -> memref<512xi32, #tpu.memory_space<hbm>>
    tpu.enqueue_dma source(%dma_start3A_3 : memref<512xi32, #tpu.memory_space<hbm>>) target(%arg6 : memref<512xi32, #tpu.memory_space<vmem>>) target_semaphore(%arg11 : memref<!tpu.dma_semaphore, #tpu.memory_space<semaphore_mem>>)
    %dma_start3A_4 = tpu.memref_slice %arg3[%mul3A_2] : memref<16384xi32, #tpu.memory_space<hbm>> -> memref<512xi32, #tpu.memory_space<hbm>>
    %dma_start3A_5 = tpu.memref_slice %arg3[%mul3A_2] : memref<16384xi32, #tpu.memory_space<hbm>> -> memref<512xi32, #tpu.memory_space<hbm>>
    tpu.enqueue_dma source(%dma_start3A_5 : memref<512xi32, #tpu.memory_space<hbm>>) target(%arg7 : memref<512xi32, #tpu.memory_space<vmem>>) target_semaphore(%arg11 : memref<!tpu.dma_semaphore, #tpu.memory_space<semaphore_mem>>)
    %dma_wait3A = tpu.memref_slice %arg2[%mul3A_2] : memref<16384xi32, #tpu.memory_space<hbm>> -> memref<512xi32, #tpu.memory_space<hbm>>
    %dma_wait3A_6 = tpu.memref_slice %arg2[%mul3A_2] : memref<16384xi32, #tpu.memory_space<hbm>> -> memref<512xi32, #tpu.memory_space<hbm>>
    tpu.wait_dma2 semaphore(%arg11 : memref<!tpu.dma_semaphore, #tpu.memory_space<semaphore_mem>>) src(%dma_wait3A_6 : memref<512xi32, #tpu.memory_space<hbm>>) dst(%arg6 : memref<512xi32, #tpu.memory_space<vmem>>)
    %dma_wait3A_7 = tpu.memref_slice %arg3[%mul3A_2] : memref<16384xi32, #tpu.memory_space<hbm>> -> memref<512xi32, #tpu.memory_space<hbm>>
    %dma_wait3A_8 = tpu.memref_slice %arg3[%mul3A_2] : memref<16384xi32, #tpu.memory_space<hbm>> -> memref<512xi32, #tpu.memory_space<hbm>>
    tpu.wait_dma2 semaphore(%arg11 : memref<!tpu.dma_semaphore, #tpu.memory_space<semaphore_mem>>) src(%dma_wait3A_8 : memref<512xi32, #tpu.memory_space<hbm>>) dst(%arg7 : memref<512xi32, #tpu.memory_space<vmem>>)
    %scan3A = arith.constant 0 : i32
    %scan3A_9 = arith.constant 8 : i32
    %scan3A_10 = arith.addi %scan3A, %scan3A_9 : i32
    %scan3A_11 = arith.constant 1 : i32
    scf.for %scan3A_92 = %scan3A to %scan3A_10 step %scan3A_11  : i32 {
      %mul3A_93 = arith.constant 16 : i32
      %mul3A_94 = arith.muli %scan3A_92, %mul3A_93 : i32
      %get3A = arith.index_cast %mul3A_94 : i32 to index
      %get3A_95 = tpu.vector_load %arg6[%get3A] {strides = array<i32>} : memref<512xi32, #tpu.memory_space<vmem>>, vector<16xi32>,
      %get3A_96 = vector.shape_cast %get3A_95 : vector<16xi32> to vector<16xi32>
      %mul3A_97 = arith.constant 16 : i32
      %mul3A_98 = arith.muli %scan3A_92, %mul3A_97 : i32
      %get3A_99 = arith.index_cast %mul3A_98 : i32 to index
      %get3A_100 = tpu.vector_load %arg7[%get3A_99] {strides = array<i32>} : memref<512xi32, #tpu.memory_space<vmem>>, vector<16xi32>,
      %get3A_101 = vector.shape_cast %get3A_100 : vector<16xi32> to vector<16xi32>
      %mul3A_102 = arith.constant 200 : i32
      %mul3A_103 = vector.broadcast %mul3A_102 : i32 to vector<16xi32>
      %mul3A_104 = arith.muli %get3A_96, %mul3A_103 : vector<16xi32>
      %add3A_105 = arith.addi %mul3A_104, %get3A_101 : vector<16xi32>
      %mul3A_106 = arith.constant 16 : i32
      %mul3A_107 = arith.muli %scan3A_92, %mul3A_106 : i32
      %swap3A = arith.index_cast %mul3A_107 : i32 to index
      %swap3A_108 = tpu.vector_load %arg8[%swap3A] {strides = array<i32>} : memref<512xi32, #tpu.memory_space<vmem>>, vector<16xi32>,
      %swap3A_109 = vector.shape_cast %swap3A_108 : vector<16xi32> to vector<16xi32>
      %swap3A_110 = vector.shape_cast %add3A_105 : vector<16xi32> to vector<16xi32>
      tpu.vector_store %arg8[%swap3A], %swap3A_110 {strides = array<i32>} : memref<512xi32, #tpu.memory_space<vmem>>, vector<16xi32>,
    }
    %scan3A_12 = arith.constant 8 : i32
    %dma_start3A_13 = arith.constant 0 : i32
    %dma_start3A_14 = arith.constant 0 : i32
    %dma_start3A_15 = tpu.memref_slice %arg9[%dma_start3A_13, %dma_start3A_14] : memref<512x128xf32, #tpu.memory_space<vmem>> -> memref<128x128xf32, #tpu.memory_space<vmem>>
    %dma_start3A_16 = arith.constant 0 : i32
    %dma_start3A_17 = tpu.memref_slice %arg8[%dma_start3A_16] : memref<512xi32, #tpu.memory_space<vmem>> -> memref<128xi32, #tpu.memory_space<vmem>>
    %dma_start3A_18 = arith.constant 0 : i32
    %dma_start3A_19 = arith.constant 0 : i32
    %dma_start3A_20 = tpu.memref_slice %arg4[%dma_start3A_18, %dma_start3A_19] : memref<100000x128xf32, #tpu.memory_space<hbm>> -> memref<100000x128xf32, #tpu.memory_space<hbm>>
    tpu.enqueue_indirect_dma source(%dma_start3A_20 : memref<100000x128xf32, #tpu.memory_space<hbm>>) target(%dma_start3A_15 : memref<128x128xf32, #tpu.memory_space<vmem>>) offsets(%dma_start3A_17 : memref<128xi32, #tpu.memory_space<vmem>>) semaphore(%arg10 : memref<!tpu.dma_semaphore, #tpu.memory_space<semaphore_mem>>)
    %scan3A_21 = arith.constant 8 : i32
    %scan3A_22 = arith.constant 8 : i32
    %scan3A_23 = arith.addi %scan3A_21, %scan3A_22 : i32
    %scan3A_24 = arith.constant 1 : i32
    scf.for %scan3A_92 = %scan3A_21 to %scan3A_23 step %scan3A_24  : i32 {
      %mul3A_93 = arith.constant 16 : i32
      %mul3A_94 = arith.muli %scan3A_92, %mul3A_93 : i32
      %get3A = arith.index_cast %mul3A_94 : i32 to index
      %get3A_95 = tpu.vector_load %arg6[%get3A] {strides = array<i32>} : memref<512xi32, #tpu.memory_space<vmem>>, vector<16xi32>,
      %get3A_96 = vector.shape_cast %get3A_95 : vector<16xi32> to vector<16xi32>
      %mul3A_97 = arith.constant 16 : i32
      %mul3A_98 = arith.muli %scan3A_92, %mul3A_97 : i32
      %get3A_99 = arith.index_cast %mul3A_98 : i32 to index
      %get3A_100 = tpu.vector_load %arg7[%get3A_99] {strides = array<i32>} : memref<512xi32, #tpu.memory_space<vmem>>, vector<16xi32>,
      %get3A_101 = vector.shape_cast %get3A_100 : vector<16xi32> to vector<16xi32>
      %mul3A_102 = arith.constant 200 : i32
      %mul3A_103 = vector.broadcast %mul3A_102 : i32 to vector<16xi32>
      %mul3A_104 = arith.muli %get3A_96, %mul3A_103 : vector<16xi32>
      %add3A_105 = arith.addi %mul3A_104, %get3A_101 : vector<16xi32>
      %mul3A_106 = arith.constant 16 : i32
      %mul3A_107 = arith.muli %scan3A_92, %mul3A_106 : i32
      %swap3A = arith.index_cast %mul3A_107 : i32 to index
      %swap3A_108 = tpu.vector_load %arg8[%swap3A] {strides = array<i32>} : memref<512xi32, #tpu.memory_space<vmem>>, vector<16xi32>,
      %swap3A_109 = vector.shape_cast %swap3A_108 : vector<16xi32> to vector<16xi32>
      %swap3A_110 = vector.shape_cast %add3A_105 : vector<16xi32> to vector<16xi32>
      tpu.vector_store %arg8[%swap3A], %swap3A_110 {strides = array<i32>} : memref<512xi32, #tpu.memory_space<vmem>>, vector<16xi32>,
    }
    %scan3A_25 = arith.constant 8 : i32
    %dma_start3A_26 = arith.constant 128 : i32
    %dma_start3A_27 = arith.constant 0 : i32
    %dma_start3A_28 = tpu.memref_slice %arg9[%dma_start3A_26, %dma_start3A_27] : memref<512x128xf32, #tpu.memory_space<vmem>> -> memref<128x128xf32, #tpu.memory_space<vmem>>
    %dma_start3A_29 = arith.constant 128 : i32
    %dma_start3A_30 = tpu.memref_slice %arg8[%dma_start3A_29] : memref<512xi32, #tpu.memory_space<vmem>> -> memref<128xi32, #tpu.memory_space<vmem>>
    %dma_start3A_31 = arith.constant 0 : i32
    %dma_start3A_32 = arith.constant 0 : i32
    %dma_start3A_33 = tpu.memref_slice %arg4[%dma_start3A_31, %dma_start3A_32] : memref<100000x128xf32, #tpu.memory_space<hbm>> -> memref<100000x128xf32, #tpu.memory_space<hbm>>
    tpu.enqueue_indirect_dma source(%dma_start3A_33 : memref<100000x128xf32, #tpu.memory_space<hbm>>) target(%dma_start3A_28 : memref<128x128xf32, #tpu.memory_space<vmem>>) offsets(%dma_start3A_30 : memref<128xi32, #tpu.memory_space<vmem>>) semaphore(%arg10 : memref<!tpu.dma_semaphore, #tpu.memory_space<semaphore_mem>>)
    %scan3A_34 = arith.constant 16 : i32
    %scan3A_35 = arith.constant 8 : i32
    %scan3A_36 = arith.addi %scan3A_34, %scan3A_35 : i32
    %scan3A_37 = arith.constant 1 : i32
    scf.for %scan3A_92 = %scan3A_34 to %scan3A_36 step %scan3A_37  : i32 {
      %mul3A_93 = arith.constant 16 : i32
      %mul3A_94 = arith.muli %scan3A_92, %mul3A_93 : i32
      %get3A = arith.index_cast %mul3A_94 : i32 to index
      %get3A_95 = tpu.vector_load %arg6[%get3A] {strides = array<i32>} : memref<512xi32, #tpu.memory_space<vmem>>, vector<16xi32>,
      %get3A_96 = vector.shape_cast %get3A_95 : vector<16xi32> to vector<16xi32>
      %mul3A_97 = arith.constant 16 : i32
      %mul3A_98 = arith.muli %scan3A_92, %mul3A_97 : i32
      %get3A_99 = arith.index_cast %mul3A_98 : i32 to index
      %get3A_100 = tpu.vector_load %arg7[%get3A_99] {strides = array<i32>} : memref<512xi32, #tpu.memory_space<vmem>>, vector<16xi32>,
      %get3A_101 = vector.shape_cast %get3A_100 : vector<16xi32> to vector<16xi32>
      %mul3A_102 = arith.constant 200 : i32
      %mul3A_103 = vector.broadcast %mul3A_102 : i32 to vector<16xi32>
      %mul3A_104 = arith.muli %get3A_96, %mul3A_103 : vector<16xi32>
      %add3A_105 = arith.addi %mul3A_104, %get3A_101 : vector<16xi32>
      %mul3A_106 = arith.constant 16 : i32
      %mul3A_107 = arith.muli %scan3A_92, %mul3A_106 : i32
      %swap3A = arith.index_cast %mul3A_107 : i32 to index
      %swap3A_108 = tpu.vector_load %arg8[%swap3A] {strides = array<i32>} : memref<512xi32, #tpu.memory_space<vmem>>, vector<16xi32>,
      %swap3A_109 = vector.shape_cast %swap3A_108 : vector<16xi32> to vector<16xi32>
      %swap3A_110 = vector.shape_cast %add3A_105 : vector<16xi32> to vector<16xi32>
      tpu.vector_store %arg8[%swap3A], %swap3A_110 {strides = array<i32>} : memref<512xi32, #tpu.memory_space<vmem>>, vector<16xi32>,
    }
    %scan3A_38 = arith.constant 8 : i32
    %dma_start3A_39 = arith.constant 256 : i32
    %dma_start3A_40 = arith.constant 0 : i32
    %dma_start3A_41 = tpu.memref_slice %arg9[%dma_start3A_39, %dma_start3A_40] : memref<512x128xf32, #tpu.memory_space<vmem>> -> memref<128x128xf32, #tpu.memory_space<vmem>>
    %dma_start3A_42 = arith.constant 256 : i32
    %dma_start3A_43 = tpu.memref_slice %arg8[%dma_start3A_42] : memref<512xi32, #tpu.memory_space<vmem>> -> memref<128xi32, #tpu.memory_space<vmem>>
    %dma_start3A_44 = arith.constant 0 : i32
    %dma_start3A_45 = arith.constant 0 : i32
    %dma_start3A_46 = tpu.memref_slice %arg4[%dma_start3A_44, %dma_start3A_45] : memref<100000x128xf32, #tpu.memory_space<hbm>> -> memref<100000x128xf32, #tpu.memory_space<hbm>>
    tpu.enqueue_indirect_dma source(%dma_start3A_46 : memref<100000x128xf32, #tpu.memory_space<hbm>>) target(%dma_start3A_41 : memref<128x128xf32, #tpu.memory_space<vmem>>) offsets(%dma_start3A_43 : memref<128xi32, #tpu.memory_space<vmem>>) semaphore(%arg10 : memref<!tpu.dma_semaphore, #tpu.memory_space<semaphore_mem>>)
    %scan3A_47 = arith.constant 24 : i32
    %scan3A_48 = arith.constant 8 : i32
    %scan3A_49 = arith.addi %scan3A_47, %scan3A_48 : i32
    %scan3A_50 = arith.constant 1 : i32
    scf.for %scan3A_92 = %scan3A_47 to %scan3A_49 step %scan3A_50  : i32 {
      %mul3A_93 = arith.constant 16 : i32
      %mul3A_94 = arith.muli %scan3A_92, %mul3A_93 : i32
      %get3A = arith.index_cast %mul3A_94 : i32 to index
      %get3A_95 = tpu.vector_load %arg6[%get3A] {strides = array<i32>} : memref<512xi32, #tpu.memory_space<vmem>>, vector<16xi32>,
      %get3A_96 = vector.shape_cast %get3A_95 : vector<16xi32> to vector<16xi32>
      %mul3A_97 = arith.constant 16 : i32
      %mul3A_98 = arith.muli %scan3A_92, %mul3A_97 : i32
      %get3A_99 = arith.index_cast %mul3A_98 : i32 to index
      %get3A_100 = tpu.vector_load %arg7[%get3A_99] {strides = array<i32>} : memref<512xi32, #tpu.memory_space<vmem>>, vector<16xi32>,
      %get3A_101 = vector.shape_cast %get3A_100 : vector<16xi32> to vector<16xi32>
      %mul3A_102 = arith.constant 200 : i32
      %mul3A_103 = vector.broadcast %mul3A_102 : i32 to vector<16xi32>
      %mul3A_104 = arith.muli %get3A_96, %mul3A_103 : vector<16xi32>
      %add3A_105 = arith.addi %mul3A_104, %get3A_101 : vector<16xi32>
      %mul3A_106 = arith.constant 16 : i32
      %mul3A_107 = arith.muli %scan3A_92, %mul3A_106 : i32
      %swap3A = arith.index_cast %mul3A_107 : i32 to index
      %swap3A_108 = tpu.vector_load %arg8[%swap3A] {strides = array<i32>} : memref<512xi32, #tpu.memory_space<vmem>>, vector<16xi32>,
      %swap3A_109 = vector.shape_cast %swap3A_108 : vector<16xi32> to vector<16xi32>
      %swap3A_110 = vector.shape_cast %add3A_105 : vector<16xi32> to vector<16xi32>
      tpu.vector_store %arg8[%swap3A], %swap3A_110 {strides = array<i32>} : memref<512xi32, #tpu.memory_space<vmem>>, vector<16xi32>,
    }
    %scan3A_51 = arith.constant 8 : i32
    %dma_start3A_52 = arith.constant 384 : i32
    %dma_start3A_53 = arith.constant 0 : i32
    %dma_start3A_54 = tpu.memref_slice %arg9[%dma_start3A_52, %dma_start3A_53] : memref<512x128xf32, #tpu.memory_space<vmem>> -> memref<128x128xf32, #tpu.memory_space<vmem>>
    %dma_start3A_55 = arith.constant 384 : i32
    %dma_start3A_56 = tpu.memref_slice %arg8[%dma_start3A_55] : memref<512xi32, #tpu.memory_space<vmem>> -> memref<128xi32, #tpu.memory_space<vmem>>
    %dma_start3A_57 = arith.constant 0 : i32
    %dma_start3A_58 = arith.constant 0 : i32
    %dma_start3A_59 = tpu.memref_slice %arg4[%dma_start3A_57, %dma_start3A_58] : memref<100000x128xf32, #tpu.memory_space<hbm>> -> memref<100000x128xf32, #tpu.memory_space<hbm>>
    tpu.enqueue_indirect_dma source(%dma_start3A_59 : memref<100000x128xf32, #tpu.memory_space<hbm>>) target(%dma_start3A_54 : memref<128x128xf32, #tpu.memory_space<vmem>>) offsets(%dma_start3A_56 : memref<128xi32, #tpu.memory_space<vmem>>) semaphore(%arg10 : memref<!tpu.dma_semaphore, #tpu.memory_space<semaphore_mem>>)
    %dma_wait3A_60 = arith.constant 0 : i32
    %dma_wait3A_61 = arith.constant 0 : i32
    %dma_wait3A_62 = tpu.memref_slice %arg9[%dma_wait3A_60, %dma_wait3A_61] : memref<512x128xf32, #tpu.memory_space<vmem>> -> memref<128x128xf32, #tpu.memory_space<vmem>>
    %dma_wait3A_63 = arith.constant 0 : i32
    %dma_wait3A_64 = tpu.memref_slice %arg8[%dma_wait3A_63] : memref<512xi32, #tpu.memory_space<vmem>> -> memref<128xi32, #tpu.memory_space<vmem>>
    %dma_wait3A_65 = arith.constant 0 : i32
    %dma_wait3A_66 = arith.constant 0 : i32
    %dma_wait3A_67 = tpu.memref_slice %arg4[%dma_wait3A_65, %dma_wait3A_66] : memref<100000x128xf32, #tpu.memory_space<hbm>> -> memref<100000x128xf32, #tpu.memory_space<hbm>>
    tpu.wait_indirect_dma semaphore(%arg10 : memref<!tpu.dma_semaphore, #tpu.memory_space<semaphore_mem>>) src(%dma_wait3A_67 : memref<100000x128xf32, #tpu.memory_space<hbm>>) dst(%dma_wait3A_62 : memref<128x128xf32, #tpu.memory_space<vmem>>)
    %dma_wait3A_68 = arith.constant 128 : i32
    %dma_wait3A_69 = arith.constant 0 : i32
    %dma_wait3A_70 = tpu.memref_slice %arg9[%dma_wait3A_68, %dma_wait3A_69] : memref<512x128xf32, #tpu.memory_space<vmem>> -> memref<128x128xf32, #tpu.memory_space<vmem>>
    %dma_wait3A_71 = arith.constant 128 : i32
    %dma_wait3A_72 = tpu.memref_slice %arg8[%dma_wait3A_71] : memref<512xi32, #tpu.memory_space<vmem>> -> memref<128xi32, #tpu.memory_space<vmem>>
    %dma_wait3A_73 = arith.constant 0 : i32
    %dma_wait3A_74 = arith.constant 0 : i32
    %dma_wait3A_75 = tpu.memref_slice %arg4[%dma_wait3A_73, %dma_wait3A_74] : memref<100000x128xf32, #tpu.memory_space<hbm>> -> memref<100000x128xf32, #tpu.memory_space<hbm>>
    tpu.wait_indirect_dma semaphore(%arg10 : memref<!tpu.dma_semaphore, #tpu.memory_space<semaphore_mem>>) src(%dma_wait3A_75 : memref<100000x128xf32, #tpu.memory_space<hbm>>) dst(%dma_wait3A_70 : memref<128x128xf32, #tpu.memory_space<vmem>>)
    %dma_wait3A_76 = arith.constant 256 : i32
    %dma_wait3A_77 = arith.constant 0 : i32
    %dma_wait3A_78 = tpu.memref_slice %arg9[%dma_wait3A_76, %dma_wait3A_77] : memref<512x128xf32, #tpu.memory_space<vmem>> -> memref<128x128xf32, #tpu.memory_space<vmem>>
    %dma_wait3A_79 = arith.constant 256 : i32
    %dma_wait3A_80 = tpu.memref_slice %arg8[%dma_wait3A_79] : memref<512xi32, #tpu.memory_space<vmem>> -> memref<128xi32, #tpu.memory_space<vmem>>
    %dma_wait3A_81 = arith.constant 0 : i32
    %dma_wait3A_82 = arith.constant 0 : i32
    %dma_wait3A_83 = tpu.memref_slice %arg4[%dma_wait3A_81, %dma_wait3A_82] : memref<100000x128xf32, #tpu.memory_space<hbm>> -> memref<100000x128xf32, #tpu.memory_space<hbm>>
    tpu.wait_indirect_dma semaphore(%arg10 : memref<!tpu.dma_semaphore, #tpu.memory_space<semaphore_mem>>) src(%dma_wait3A_83 : memref<100000x128xf32, #tpu.memory_space<hbm>>) dst(%dma_wait3A_78 : memref<128x128xf32, #tpu.memory_space<vmem>>)
    %dma_wait3A_84 = arith.constant 384 : i32
    %dma_wait3A_85 = arith.constant 0 : i32
    %dma_wait3A_86 = tpu.memref_slice %arg9[%dma_wait3A_84, %dma_wait3A_85] : memref<512x128xf32, #tpu.memory_space<vmem>> -> memref<128x128xf32, #tpu.memory_space<vmem>>
    %dma_wait3A_87 = arith.constant 384 : i32
    %dma_wait3A_88 = tpu.memref_slice %arg8[%dma_wait3A_87] : memref<512xi32, #tpu.memory_space<vmem>> -> memref<128xi32, #tpu.memory_space<vmem>>
    %dma_wait3A_89 = arith.constant 0 : i32
    %dma_wait3A_90 = arith.constant 0 : i32
    %dma_wait3A_91 = tpu.memref_slice %arg4[%dma_wait3A_89, %dma_wait3A_90] : memref<100000x128xf32, #tpu.memory_space<hbm>> -> memref<100000x128xf32, #tpu.memory_space<hbm>>
    tpu.wait_indirect_dma semaphore(%arg10 : memref<!tpu.dma_semaphore, #tpu.memory_space<semaphore_mem>>) src(%dma_wait3A_91 : memref<100000x128xf32, #tpu.memory_space<hbm>>) dst(%dma_wait3A_86 : memref<128x128xf32, #tpu.memory_space<vmem>>)
    "tpu.region"() ({
      %run_scoped3A = tpu.sem_alloc : memref<!tpu.dma_semaphore, #tpu.memory_space<semaphore_mem>>
      %dma_start3A_92 = arith.constant 0 : i32
      %dma_start3A_93 = tpu.memref_slice %arg5[%mul3A_2, %dma_start3A_92] : memref<16384x128xf32, #tpu.memory_space<hbm>> -> memref<512x128xf32, #tpu.memory_space<hbm>>
      %dma_start3A_94 = arith.constant 0 : i32
      %dma_start3A_95 = tpu.memref_slice %arg5[%mul3A_2, %dma_start3A_94] : memref<16384x128xf32, #tpu.memory_space<hbm>> -> memref<512x128xf32, #tpu.memory_space<hbm>>
      tpu.enqueue_dma source(%arg9 : memref<512x128xf32, #tpu.memory_space<vmem>>) target(%dma_start3A_95 : memref<512x128xf32, #tpu.memory_space<hbm>>) target_semaphore(%run_scoped3A : memref<!tpu.dma_semaphore, #tpu.memory_space<semaphore_mem>>)
      %dma_wait3A_96 = arith.constant 0 : i32
      %dma_wait3A_97 = tpu.memref_slice %arg5[%mul3A_2, %dma_wait3A_96] : memref<16384x128xf32, #tpu.memory_space<hbm>> -> memref<512x128xf32, #tpu.memory_space<hbm>>
      %dma_wait3A_98 = arith.constant 0 : i32
      %dma_wait3A_99 = tpu.memref_slice %arg5[%mul3A_2, %dma_wait3A_98] : memref<16384x128xf32, #tpu.memory_space<hbm>> -> memref<512x128xf32, #tpu.memory_space<hbm>>
      tpu.wait_dma2 semaphore(%run_scoped3A : memref<!tpu.dma_semaphore, #tpu.memory_space<semaphore_mem>>) src(%arg9 : memref<512x128xf32, #tpu.memory_space<vmem>>) dst(%dma_wait3A_99 : memref<512x128xf32, #tpu.memory_space<hbm>>)
      tpu.yield
    }) : () -> ()
    return
  }
}

module attributes {stable_mosaic.version = 14 : i64} {
  func.func @_matmul_body(%arg0: i32, %arg1: memref<8192x128xf32, #tpu.memory_space<vmem>>, %arg2: memref<64x128xf32, #tpu.memory_space<vmem>>, %arg3: memref<64x1xf32, #tpu.memory_space<vmem>>, %arg4: memref<64x8192xf32, #tpu.memory_space<vmem>>) attributes {dimension_semantics = [#tpu.dimension_semantics<arbitrary>], iteration_bounds = array<i64: 2>, scalar_prefetch = 0 : i64, scratch_operands = 0 : i64, tpu.core_type = #tpu.core_type<tc>, window_params = [{transform_indices = @transform_0, window_bounds = array<i64: 8192, 128>}, {pipeline_mode = #tpu.pipeline_mode<synchronous>, transform_indices = @transform_1, window_bounds = array<i64: 64, 128>}, {pipeline_mode = #tpu.pipeline_mode<synchronous>, transform_indices = @transform_2, window_bounds = array<i64: 64, 1>}, {transform_indices = @transform_3, window_bounds = array<i64: 64, 8192>}]} {
    %get3A = arith.constant 0 : index
    %get3A_0 = arith.constant 0 : index
    %get3A_1 = vector.load %arg2[%get3A, %get3A_0] : memref<64x128xf32, #tpu.memory_space<vmem>>, vector<64x128xf32>
    %get3A_2 = arith.constant 0 : index
    %get3A_3 = arith.constant 0 : index
    %get3A_4 = vector.load %arg1[%get3A_2, %get3A_3] : memref<8192x128xf32, #tpu.memory_space<vmem>>, vector<8192x128xf32>
    %dot_general3A = arith.constant dense<0.000000e+00> : vector<64x8192xf32>
    %dot_general3A_5 = tpu.matmul %get3A_1, %get3A_4, %dot_general3A {dimension_numbers = #tpu.dot_dimension_numbers<[1], [1], [0], [0], [0, 0, 1, 0], [], []>, transpose_lhs_hint = false} : vector<64x128xf32>, vector<8192x128xf32>, vector<64x8192xf32> -> vector<64x8192xf32>
    %get3A_6 = arith.constant 0 : index
    %get3A_7 = arith.constant 0 : index
    %get3A_8 = vector.load %arg3[%get3A_6, %get3A_7] : memref<64x1xf32, #tpu.memory_space<vmem>>, vector<64x1xf32>
    %add3A = vector.broadcast %get3A_8 : vector<64x1xf32> to vector<64x8192xf32>
    %add3A_9 = arith.addf %dot_general3A_5, %add3A : vector<64x8192xf32>
    %swap3A = arith.constant 0 : index
    %swap3A_10 = arith.constant 0 : index
    %swap3A_11 = vector.load %arg4[%swap3A, %swap3A_10] : memref<64x8192xf32, #tpu.memory_space<vmem>>, vector<64x8192xf32>
    tpu.vector_store %arg4[%swap3A, %swap3A_10], %add3A_9 {strides = array<i32>} : memref<64x8192xf32, #tpu.memory_space<vmem>>, vector<64x8192xf32>,
    return
  }
  func.func @transform_0(%arg0: i32) -> (i32, i32) {
    %c0_i32 = arith.constant 0 : i32
    %c0_i32_0 = arith.constant 0 : i32
    return %arg0, %c0_i32 : i32, i32
  }
  func.func @transform_1(%arg0: i32) -> (i32, i32) {
    %c0_i32 = arith.constant 0 : i32
    %c0_i32_0 = arith.constant 0 : i32
    %c0_i32_1 = arith.constant 0 : i32
    return %c0_i32, %c0_i32_0 : i32, i32
  }
  func.func @transform_2(%arg0: i32) -> (i32, i32) {
    %c0_i32 = arith.constant 0 : i32
    %c0_i32_0 = arith.constant 0 : i32
    %c0_i32_1 = arith.constant 0 : i32
    return %c0_i32, %c0_i32_0 : i32, i32
  }
  func.func @transform_3(%arg0: i32) -> (i32, i32) {
    %c0_i32 = arith.constant 0 : i32
    %c0_i32_0 = arith.constant 0 : i32
    return %c0_i32, %arg0 : i32, i32
  }
}

</mosaic_0001>

<sc_bundles>
// kernel: kernel.4.cloned.1.call-start
scs
__scs_entry_jumppad:
0x0: {  	(pc) =	sbr.rel $0x88, $3  }
0x1: {  	(tag) =	ssettag $0x0;
	lr =	simm.s32 $0x1  }
0x2: {  	[smem:$0x3F9C] =	sst lr;
	_ =	strace $0xD0000000  }
0x3: {  	_ = 	snop  }
0x4: {  	_ = 	snop  }
0x5: {  	_ = 	snop  }
0x6: {  	_ = 	snop  }
0x7: {  	_ = 	snop  }
__scs_overlays_trampoline_lowered:
0x8: {  	[smem:$0x3FAB] =	sst s0  }
0x9: {  	[smem:$0x3FAC] =	sst s1  }
0xa: {  	[smem:$0x3FAD] =	sst s2  }
0xb: {  	[smem:$0x3FAE] =	sst s3  }
0xc: {  	[smem:$0x3FAF] =	sst s4  }
0xd: {  	[smem:$0x3FB0] =	sst s5  }
0xe: {  	[smem:$0x3FB1] =	sst s6  }
0xf: {  	[smem:$0x3FB2] =	sst s7  }
0x10: {  	[smem:$0x3FB3] =	sst s8  }
0x11: {  	[smem:$0x3FB4] =	sst s9;
	s0 =	simm.s32 @!p0 $0x0  }
0x12: {  	s1 =	sld [smem:$0x3F9A];
	s0 =	simm.s32 @p0 $0x1  }
0x13: {  	[smem:$0x3FB5] =	sst s0;
	s0 =	simm.s32 @!p1 $0x0  }
0x14: {  	s2 =	sld [smem:$0x3F99];
	s0 =	simm.s32 @p1 $0x1  }
0x15: {  	[smem:$0x3FB6] =	sst s0;
	s0 =	simm.s32 @!p2 $0x0  }
0x16: {  	s3 =	sld [smem:$0x3FDB];
	s0 =	simm.s32 @p2 $0x1  }
0x17: {  	s4 =	simm.s32 $0x1BF5;
	[smem:$0x3FB8] =	sst s0  }
0x18: {  	s0 =	sld [smem:$0x3F9B];
	_ =	swait.ge [sflag:s4], $0x0  }
0x19: {  	s7 =	sld [smem:$0x3F9C]  }
0x1a: {  	s8 =	sadd.s32 $0xFFFFE003, lr  }
0x1b: {  	s9 =	sadd.s32 $0xFFFFFEF7, lr;
	s5 =	simm.s32 $0xFFFFFFFF;
	p2 =	slt.u32 s8, $0xFFFFF086  }
0x1c: {  	p1 =	slt.u32 s9, $0xF7A;
	s5 =	simm.s32 @!p2 $0x0  }
0x1d: {  	s5 =	simm.s32 @p1 $0x1;
	p0 =	seq.s32 s7, s2  }
0x1e: {  	s7 =	smul.u32 @!p0 $0xF7A, s2;
	p2 =	seq.s32 @!p0 s5, $0x0  }
0x1f: {  	s9 =	smul.u32 $0xF7A, s1;
	s8 =	simm.s32 @!p0 $0x1BF5;
	p2 =	por !p2, p0  }
0x20: {  	[sflag:s8] =	ssyncset.s32 @!p0 $0xFFFFF086;
	s6 =	sadd.s32 @!p0 s3, s7;
	s7 =	simm.s32 @!p0 $0x108  }
0x21: {  	s3 =	sadd.s32 s3, s9;
	s6 =	sadd.s32 @!p0 $0x88, s6;
	s7 =	simm.s32 @p2 $0x1082  }
0x22: {  	[simem:s7], [sflag:s8] =	dma.local @!p0 [hbm:s6], $0xF7A  }
0x23: {  	s9 =	sor.u32 $0xD0000000, s2;
	s6 =	simm.s32 $0x108;
	_ =	swait.ge @!p0 [sflag:s8], $0x0  }
0x24: {  	s3 =	sadd.s32 $0x88, s3;
	s6 =	simm.s32 @!p1 $0x1082;
	[sflag:s4] =	ssyncset.s32 $0xFFFFF086  }
0x25: {  	[simem:s6], [sflag:s4] =	dma.local [hbm:s3], $0xF7A  }
0x26: {  	[smem:$0x3F9C] =	sst s1;
	(tag) =	ssettag s2;
	_ =	strace s9  }
0x27: {  	s1 =	sld [smem:$0x3FAC]  }
0x28: {  	s2 =	sld [smem:$0x3FAD]  }
0x29: {  	s4 =	sld [smem:$0x3FAF]  }
0x2a: {  	p0 =	seq.s32 s5, $0x0;
	s5 =	sld [smem:$0x3FB0]  }
0x2b: {  	s6 =	sld [smem:$0x3FB1]  }
0x2c: {  	s7 =	sld [smem:$0x3FB2]  }
0x2d: {  	s3 =	simm.s32 $0x108;
	s8 =	sld [smem:$0x3FB3]  }
0x2e: {  	s3 =	simm.s32 @!p0 $0x1082;
	s9 =	sld [smem:$0x3FB4]  }
0x2f: {  	lr =	sadd.s32 s0, s3;
	s0 =	sld [smem:$0x3FAB]  }
0x30: {  	s3 =	sld [smem:$0x3FAE]  }
0x31: {  	[smem:$0x3FB7] =	sst s10  }
0x32: {  	s10 =	sld [smem:$0x3FB5];
	_ =	sdelay $0x3  }
0x33: {  	p0 =	seq.s32 s10, $0x1;
	s10 =	sld [smem:$0x3FB7];
	_ =	sdelay $0x3  }
0x34: {  	[smem:$0x3FB7] =	sst s10  }
0x35: {  	s10 =	sld [smem:$0x3FB6];
	_ =	sdelay $0x3  }
0x36: {  	p1 =	seq.s32 s10, $0x1;
	s10 =	sld [smem:$0x3FB7];
	_ =	sdelay $0x3  }
0x37: {  	[smem:$0x3FB7] =	sst s10  }
0x38: {  	s10 =	sld [smem:$0x3FB8]  }
0x39: {  	_ = 	snop;
	(pc) =	sbr.ind lr, $3  }
0x3a: {  	_ = 	snop  }
0x3b: {  	_ = 	snop  }
0x3c: {  	p2 =	seq.s32 s10, $0x1;
	s10 =	sld [smem:$0x3FB7]  }
0x3d: {  	_ =	shalt  }
0x3e: {  	_ =	shalt  }
0x3f: {  	_ =	shalt  }
0x40: {  	_ =	shalt  }
0x41: {  	_ =	shalt  }
0x42: {  	_ =	shalt  }
0x43: {  	_ =	shalt  }
0x44: {  	_ =	shalt  }
0x45: {  	_ =	shalt  }
0x46: {  	_ =	shalt  }
0x47: {  	_ =	shalt  }
0x48: {  	_ =	shalt  }
0x49: {  	_ =	shalt  }
0x4a: {  	_ =	shalt  }
0x4b: {  	_ =	shalt  }
0x4c: {  	_ =	shalt  }
0x4d: {  	_ =	shalt  }
0x4e: {  	_ =	shalt  }
0x4f: {  	_ =	shalt  }
0x50: {  	_ =	shalt  }
0x51: {  	_ =	shalt  }
0x52: {  	_ =	shalt  }
0x53: {  	_ =	shalt  }
0x54: {  	_ =	shalt  }
0x55: {  	_ =	shalt  }
0x56: {  	_ =	shalt  }
0x57: {  	_ =	shalt  }
0x58: {  	_ =	shalt  }
0x59: {  	_ =	shalt  }
0x5a: {  	_ =	shalt  }
0x5b: {  	_ =	shalt  }
0x5c: {  	_ =	shalt  }
0x5d: {  	_ =	shalt  }
0x5e: {  	_ =	shalt  }
0x5f: {  	_ =	shalt  }
0x60: {  	_ =	shalt  }
0x61: {  	_ =	shalt  }
0x62: {  	_ =	shalt  }
0x63: {  	_ =	shalt  }
0x64: {  	_ =	shalt  }
0x65: {  	_ =	shalt  }
0x66: {  	_ =	shalt  }
0x67: {  	_ =	shalt  }
0x68: {  	_ =	shalt  }
0x69: {  	_ =	shalt  }
0x6a: {  	_ =	shalt  }
0x6b: {  	_ =	shalt  }
0x6c: {  	_ =	shalt  }
0x6d: {  	_ =	shalt  }
0x6e: {  	_ =	shalt  }
0x6f: {  	_ =	shalt  }
0x70: {  	_ =	shalt  }
0x71: {  	_ =	shalt  }
0x72: {  	_ =	shalt  }
0x73: {  	_ =	shalt  }
0x74: {  	_ =	shalt  }
0x75: {  	_ =	shalt  }
0x76: {  	_ =	shalt  }
0x77: {  	_ =	shalt  }
0x78: {  	_ =	shalt  }
0x79: {  	_ =	shalt  }
0x7a: {  	_ =	shalt  }
0x7b: {  	_ =	shalt  }
0x7c: {  	_ =	shalt  }
0x7d: {  	_ =	shalt  }
0x7e: {  	_ =	shalt  }
0x7f: {  	_ =	shalt  }
0x80: {  	_ =	shalt  }
0x81: {  	_ =	shalt  }
0x82: {  	_ =	shalt  }
0x83: {  	_ =	shalt  }
0x84: {  	_ =	shalt  }
0x85: {  	_ =	shalt  }
0x86: {  	_ =	shalt  }
0x87: {  	_ =	shalt  }
.Lfunc_end0:
.L_simem_size_0:
called_computation_lowered:
.L_overlay_start_0:
0x88: {  	s2 =	sld [smem:$0x3FD9]  }
0x89: {  	s3 =	sld [smem:$0x3FFE];
	_ =	sdelay $0x1  }
0x8a: {  	s1 =	srdreg.scid  }
0x8b: {  	s0 =	sand.u32 $0x1, s1  }
0x8c: {  	s17 =	sshll.u32 s0, $0xA;
	s2 =	sadd.s32 s3, s2  }
0x8d: {  	s2 =	sadd.s32 s2, s17  }
0x8e: {  	[smem:$0x3FC3] =	sst s2  }
0x8f: {  	_ = 	snop  }
0x90: {  	s2 =	sld [smem:$0x3FC9]  }
0x91: {  	s18 =	sld [smem:$0x3FC8]  }
0x92: {  	s4 =	sld [smem:$0x3FC7];
	(tm) =	ssettm $0x1  }
0x93: {  	s5 =	sld [smem:$0x3FFB];
	_ =	sdelay $0x3  }
0x94: {  	_ =	strace s5  }
0x95: {  	s5 =	sld [smem:$0x3FFC];
	_ =	sdelay $0x3  }
0x96: {  	_ =	strace s5  }
0x97: {  	s5 =	sld [smem:$0x3FFD];
	_ =	sdelay $0x3  }
0x98: {  	_ =	strace s5  }
0x99: {  	_ =	strace $0x8FFFFFFF  }
0x9a: {  	s19 =	sld [smem:$0x3FDB];
	_ =	sdelay $0x1  }
0x9b: {  	s6 =	simm.s32 $_scs_section_size  }
0x9c: {  	s7 =	simm.s32 $_size__tile_overlayer_lowered;
	s8 =	simm.s32 $_tile_overlayer_lowered  }
0x9d: {  	s22 =	simm.s32 $0x1BFF;
	s21 =	sshll.u32 s8, $0x1;
	s5 =	sadd.s32 s6, s19  }
0x9e: {  	s9 =	simm.s32 $0x0;
	s20 =	sshll.u32 s7, $0x1;
	s7 =	sadd.s32 s21, s5  }
0x9f: {  	[timem:s9], [sflag:s22] =	dma.local [hbm:s7], s20  }
0xa0: {  	_ =	swait.ge [sflag:s22], s20  }
0xa1: {  	s6 =	ssub.s32 $0x0, s20;
	[sflag:s22] =	ssyncset.done $0x0  }
0xa2: {  	[sflag:s22] =	ssyncadd.s32 s6;
	_ =	sdelay $0x1  }
0xa3: {  	s23 =	simm.s32 $0x1B8B  }
0xa4: {  	_ =	swait.ge [sflag:s23], $0x1  }
0xa5: {  	[sflag:s23] =	ssyncset.done $0x0  }
0xa6: {  	s25 =	simm.s32 $0x1B8E;
	s24 =	sld [smem:$0x3FFE];
	[sflag:s23] =	ssyncadd.s32 $0xFFFFFFFF  }
0xa7: {  	s26 =	simm.s32 $execute0_lowered;
	[smem:$0x3FD2] =	sst s25  }
0xa8: {  	s7 =	sshll.u32 s26, $0x1;
	_ =	strace $0x80000046;
	[dreg:$0x1] =	wrdreg $0xFFFFFFFF  }
0xa9: {  	s28 =	simm.s32 $_size_execute0_lowered;
	s5 =	sadd.s32 s5, s7;
	[dreg:$0x0] =	wrdreg $0x0  }
0xaa: {  	s7 =	sshll.u32 s28, $0x1;
	[dreg:$0x2] =	wrdreg s5  }
0xab: {  	[dreg:$0x3] =	wrdreg s7  }
0xac: {  	[dreg:$0x4] =	wrdreg $0xC0  }
0xad: {  	_ =	task [dreg:s9], $0x5FFFF  }
0xae: {  	[dreg:$0x1] =	wrdreg $0xFFFFFFFF  }
0xaf: {  	[dreg:$0x0] =	wrdreg $0x60  }
0xb0: {  	[dreg:$0x2] =	wrdreg s2  }
0xb1: {  	[dreg:$0x3] =	wrdreg s18  }
0xb2: {  	[dreg:$0x4] =	wrdreg s4  }
0xb3: {  	[dreg:$0x5] =	wrdreg s24  }
0xb4: {  	[dreg:$0x6] =	wrdreg $0x9  }
0xb5: {  	_ =	task.clear_ibuf [dreg:s9], $0x7FFFF;
	_ =	strace $0x90000046  }
0xb6: {  	s29 =	simm.s32 $0x9;
	_ =	strace $0x80000048  }
0xb7: {  	_ =	swait.ge [sflag:s29], $0x1  }
0xb8: {  	[sflag:s29] =	ssyncadd.s32 $0xFFFFFFFF  }
0xb9: {  	_ =	strace $0x90000048  }
0xba: {  	_ =	sfence  }
0xbb: {  	s30 =	sld [smem:$0x0];
	_ =	sdelay $0x2  }
0xbc: {  	s31 =	sshll.u32 s1, $0xD;
	s1 =	sshrl.u32 s1, $0x2  }
0xbd: {  	s3 =	sand.u32 $0x4000, s31;
	s1 =	sadd.s32 s1, s30  }
0xbe: {  	s0 =	sor.u32 s3, s0;
	s1 =	sshll.u32 s1, $0x11  }
0xbf: {  	s0 =	sor.u32 s1, s0  }
0xc0: {  	s0 =	sadd.s32 $0x8F2B, s0  }
0xc1: {  	[sflag:s0] =	ssyncadd.remote.s32 $0x1  }
0xc2: {  	_ =	sfence.sel $0xFFFF  }
0xc3: {  	[dreg:$0x0] =	wrdreg $0xFFFFFFFF;
	(pc) =	sbr.abs _section_cstart, $3  }
0xc4: {  	[dreg:$0x1] =	wrdreg $0xFFFFFFFF  }
0xc5: {  	_ =	task.clear_ibuf [dreg:s9], $0x2FFFF;
	_ =	strace $0x9FFFFFFF  }
0xc6: {  	(tm) =	ssettm $0x7FFFFFFF  }
0xc7: {  	_ =	shalt  }
tec
execute0_lowered:
.L_overlay_start_1:
0x0: {  	(tag) =	ssettag $0x1  }
0x1: {  	s4 =	rddreg [dreg:$0x0]  }
0x2: {  	s5 =	rddreg [dreg:$0x1]  }
0x3: {  	s2 =	rddreg [dreg:$0x2]  }
0x4: {  	s6 =	rddreg [dreg:$0x3];
	s3 =	srdreg.scid  }
0x5: {  	s0 =	rddreg [dreg:$0x4];
	s1 =	stileid.u32  }
0x6: {  	s10 =	simm.s32 $0x80;
	s11 =	simm.s32 $0x400;
	s12 =	simm.s32 $0x600  }
0x7: {  	s13 =	simm.s32 $0x480;
	s14 =	simm.s32 $0x4600;
	s15 =	simm.s32 $0x500  }
0x8: {  	s16 =	simm.s32 $0x8600;
	s17 =	simm.s32 $0x580;
	s18 =	simm.s32 $0xC600  }
0x9: {  	s19 =	simm.s32 $0x1;
	s20 =	simm.s32 $0x3;
	s7 =	sand.u32 $0x1, s3  }
0xa: {  	s3 =	simm.s32 $0x0;
	s8 =	sshll.u32 s1, $0xA;
	s9 =	sshll.u32 s7, $0x9  }
0xb: {  	[smem:$0x7FF] =	sst s3;
	s7 =	ssub.s32 $0x2, s7;
	s8 =	sor.u32 s9, s8  }
0xc: {  	_ =	strace $0x80000047;
	s31 =	sshrl.u32 s7, $0x1;
	s9 =	sshll.u32 s8, $0x4  }
0xd: {  	s8 =	sshrl.u32 s8, $0x3;
	s7 =	ssub.s32 s7, s31;
	s6 =	sadd.s32 s9, s6  }
0xe: {  	s4 =	sadd.s32 s4, s8;
	s5 =	sadd.s32 s5, s8;
	s7 =	smax.u32 s7, $0x1  }
0xf: {  	s8 =	simm.s32 $0x200;
	s9 =	simm.s32 $0x2;
	s6 =	sadd.s32 $0xA00, s6  }
.LBB2_1:
0x10: {  	[tilespmem:s3], [sflag:$0x2] =	stream.linear.gather [hbm4b:s4+s3], $0x200, $0x38;
	[tilespmem:$0x10600] =	vst v63  }
0x11: {  	_ = 	snop  }
0x12: {  	[tilespmem:s8], [sflag:$0x2] =	stream.linear.gather [hbm4b:s5+s3], $0x200, $0x38;
	[tilespmem:$0x10600] =	vst v63  }
0x13: {  	_ =	swait.ge [sflag:s9], $0x200  }
0x14: {  	[sflag:s9] =	ssyncset.done $0x0  }
0x15: {  	[sflag:s9] =	ssyncadd.s32 $0xFFFFFE00  }
0x16: {  	_ =	swait.ge [sflag:s9], $0x200  }
0x17: {  	[sflag:s9] =	ssyncset.done $0x0  }
0x18: {  	[sflag:s9] =	ssyncadd.s32 $0xFFFFFE00  }
0x19: {  	v0 =	vld [tilespmem:$0x0]  }
0x1a: {  	v1 =	vld [tilespmem:$0x200]  }
0x1b: {  	v2 =	vld [tilespmem:$0x10]  }
0x1c: {  	v3 =	vld [tilespmem:$0x210]  }
0x1d: {  	v4 =	vld [tilespmem:$0x20]  }
0x1e: {  	v5 =	vld [tilespmem:$0x220]  }
0x1f: {  	v6 =	vld [tilespmem:$0x30]  }
0x20: {  	v7 =	vld [tilespmem:$0x230]  }
0x21: {  	v8 =	vld [tilespmem:$0x40]  }
0x22: {  	v9 =	vld [tilespmem:$0x240]  }
0x23: {  	v10 =	vld [tilespmem:$0x50]  }
0x24: {  	v11 =	vld [tilespmem:$0x250];
	v0 =	vmul.u32 $0xC8, v0  }
0x25: {  	v12 =	vld [tilespmem:$0x60];
	v2 =	vmul.u32 $0xC8, v2  }
0x26: {  	v61 =	vld [tilespmem:$0x70];
	v60 =	vmul.u32 $0xC8, v4;
	v0 =	vadd.s32 v1, v0  }
0x27: {  	v13 =	vld [tilespmem:$0x260];
	v63 =	vmul.u32 $0xC8, v6;
	v62 =	vadd.s32 v3, v2;
	[tilespmem:$0x400] =	vst v0  }
0x28: {  	v16 =	vld [tilespmem:$0x270];
	v15 =	vmul.u32 $0xC8, v8;
	v14 =	vadd.s32 v5, v60;
	[tilespmem:$0x410] =	vst v62  }
0x29: {  	v18 =	vmul.u32 $0xC8, v10;
	v17 =	vadd.s32 v7, v63;
	[tilespmem:$0x420] =	vst v14  }
0x2a: {  	v20 =	vmul.u32 $0xC8, v12;
	v19 =	vadd.s32 v9, v15;
	[tilespmem:$0x430] =	vst v17  }
0x2b: {  	v22 =	vmul.u32 $0xC8, v61;
	v21 =	vadd.s32 v11, v18;
	[tilespmem:$0x440] =	vst v19  }
0x2c: {  	v23 =	vadd.s32 v13, v20;
	[tilespmem:$0x450] =	vst v21  }
0x2d: {  	v24 =	vadd.s32 v16, v22;
	[tilespmem:$0x460] =	vst v23  }
0x2e: {  	[tilespmem:$0x470] =	vst v24  }
0x2f: {  	[tilespmem:s12], [sflag:$0x1] =	stream.indirect.gather [hbm4b:s2+s10], $0x80, s11, s10, $0xb8;
	[tilespmem:$0x10600] =	vst v63  }
0x30: {  	v25 =	vld [tilespmem:$0x80]  }
0x31: {  	v26 =	vld [tilespmem:$0x280]  }
0x32: {  	v27 =	vld [tilespmem:$0x90]  }
0x33: {  	v28 =	vld [tilespmem:$0x290]  }
0x34: {  	v29 =	vld [tilespmem:$0xA0]  }
0x35: {  	v30 =	vld [tilespmem:$0x2A0]  }
0x36: {  	v31 =	vld [tilespmem:$0xB0]  }
0x37: {  	v32 =	vld [tilespmem:$0x2B0]  }
0x38: {  	v33 =	vld [tilespmem:$0xC0]  }
0x39: {  	v34 =	vld [tilespmem:$0x2C0]  }
0x3a: {  	v35 =	vld [tilespmem:$0xD0]  }
0x3b: {  	v36 =	vld [tilespmem:$0x2D0];
	v0 =	vmul.u32 $0xC8, v25  }
0x3c: {  	v37 =	vld [tilespmem:$0xE0];
	v2 =	vmul.u32 $0xC8, v27  }
0x3d: {  	v39 =	vld [tilespmem:$0xF0];
	v38 =	vmul.u32 $0xC8, v29;
	v0 =	vadd.s32 v26, v0  }
0x3e: {  	v42 =	vld [tilespmem:$0x2E0];
	v41 =	vmul.u32 $0xC8, v31;
	v40 =	vadd.s32 v28, v2;
	[tilespmem:$0x480] =	vst v0  }
0x3f: {  	v45 =	vld [tilespmem:$0x2F0];
	v44 =	vmul.u32 $0xC8, v33;
	v43 =	vadd.s32 v30, v38;
	[tilespmem:$0x490] =	vst v40  }
0x40: {  	v47 =	vmul.u32 $0xC8, v35;
	v46 =	vadd.s32 v32, v41;
	[tilespmem:$0x4A0] =	vst v43  }
0x41: {  	v49 =	vmul.u32 $0xC8, v37;
	v48 =	vadd.s32 v34, v44;
	[tilespmem:$0x4B0] =	vst v46  }
0x42: {  	v51 =	vmul.u32 $0xC8, v39;
	v50 =	vadd.s32 v36, v47;
	[tilespmem:$0x4C0] =	vst v48  }
0x43: {  	v52 =	vadd.s32 v42, v49;
	[tilespmem:$0x4D0] =	vst v50  }
0x44: {  	v53 =	vadd.s32 v45, v51;
	[tilespmem:$0x4E0] =	vst v52  }
0x45: {  	[tilespmem:$0x4F0] =	vst v53  }
0x46: {  	[tilespmem:s14], [sflag:$0x1] =	stream.indirect.gather [hbm4b:s2+s10], $0x80, s13, s10, $0xb8;
	[tilespmem:$0x10600] =	vst v63  }
0x47: {  	v54 =	vld [tilespmem:$0x100]  }
0x48: {  	v55 =	vld [tilespmem:$0x300]  }
0x49: {  	v56 =	vld [tilespmem:$0x110]  }
0x4a: {  	v57 =	vld [tilespmem:$0x310]  }
0x4b: {  	v58 =	vld [tilespmem:$0x120]  }
0x4c: {  	v59 =	vld [tilespmem:$0x320]  }
0x4d: {  	v60 =	vld [tilespmem:$0x130]  }
0x4e: {  	v61 =	vld [tilespmem:$0x330]  }
0x4f: {  	v62 =	vld [tilespmem:$0x140]  }
0x50: {  	v63 =	vld [tilespmem:$0x340]  }
0x51: {  	v16 =	vld [tilespmem:$0x150]  }
0x52: {  	v17 =	vld [tilespmem:$0x350];
	v0 =	vmul.u32 $0xC8, v54  }
0x53: {  	v18 =	vld [tilespmem:$0x160];
	v2 =	vmul.u32 $0xC8, v56  }
0x54: {  	v20 =	vld [tilespmem:$0x170];
	v19 =	vmul.u32 $0xC8, v58;
	v0 =	vadd.s32 v55, v0  }
0x55: {  	v23 =	vld [tilespmem:$0x360];
	v22 =	vmul.u32 $0xC8, v60;
	v21 =	vadd.s32 v57, v2;
	[tilespmem:$0x500] =	vst v0  }
0x56: {  	v26 =	vld [tilespmem:$0x370];
	v25 =	vmul.u32 $0xC8, v62;
	v24 =	vadd.s32 v59, v19;
	[tilespmem:$0x510] =	vst v21  }
0x57: {  	v28 =	vmul.u32 $0xC8, v16;
	v27 =	vadd.s32 v61, v22;
	[tilespmem:$0x520] =	vst v24  }
0x58: {  	v30 =	vmul.u32 $0xC8, v18;
	v29 =	vadd.s32 v63, v25;
	[tilespmem:$0x530] =	vst v27  }
0x59: {  	v32 =	vmul.u32 $0xC8, v20;
	v31 =	vadd.s32 v17, v28;
	[tilespmem:$0x540] =	vst v29  }
0x5a: {  	v33 =	vadd.s32 v23, v30;
	[tilespmem:$0x550] =	vst v31  }
0x5b: {  	v34 =	vadd.s32 v26, v32;
	[tilespmem:$0x560] =	vst v33  }
0x5c: {  	[tilespmem:$0x570] =	vst v34  }
0x5d: {  	[tilespmem:s16], [sflag:$0x1] =	stream.indirect.gather [hbm4b:s2+s10], $0x80, s15, s10, $0xb8;
	[tilespmem:$0x10600] =	vst v63  }
0x5e: {  	v35 =	vld [tilespmem:$0x180]  }
0x5f: {  	v36 =	vld [tilespmem:$0x380]  }
0x60: {  	v37 =	vld [tilespmem:$0x190]  }
0x61: {  	v38 =	vld [tilespmem:$0x390]  }
0x62: {  	v39 =	vld [tilespmem:$0x1A0]  }
0x63: {  	v40 =	vld [tilespmem:$0x3A0]  }
0x64: {  	v41 =	vld [tilespmem:$0x1B0]  }
0x65: {  	v42 =	vld [tilespmem:$0x3B0]  }
0x66: {  	v43 =	vld [tilespmem:$0x1C0]  }
0x67: {  	v44 =	vld [tilespmem:$0x3C0]  }
0x68: {  	v45 =	vld [tilespmem:$0x1D0]  }
0x69: {  	v46 =	vld [tilespmem:$0x3D0];
	v0 =	vmul.u32 $0xC8, v35  }
0x6a: {  	v47 =	vld [tilespmem:$0x1E0];
	v2 =	vmul.u32 $0xC8, v37  }
0x6b: {  	v49 =	vld [tilespmem:$0x1F0];
	v48 =	vmul.u32 $0xC8, v39;
	v0 =	vadd.s32 v36, v0  }
0x6c: {  	v52 =	vld [tilespmem:$0x3E0];
	v51 =	vmul.u32 $0xC8, v41;
	v50 =	vadd.s32 v38, v2;
	[tilespmem:$0x580] =	vst v0  }
0x6d: {  	v55 =	vld [tilespmem:$0x3F0];
	v54 =	vmul.u32 $0xC8, v43;
	v53 =	vadd.s32 v40, v48;
	[tilespmem:$0x590] =	vst v50  }
0x6e: {  	v57 =	vmul.u32 $0xC8, v45;
	v56 =	vadd.s32 v42, v51;
	[tilespmem:$0x5A0] =	vst v53  }
0x6f: {  	v59 =	vmul.u32 $0xC8, v47;
	v58 =	vadd.s32 v44, v54;
	[tilespmem:$0x5B0] =	vst v56  }
0x70: {  	v61 =	vmul.u32 $0xC8, v49;
	v60 =	vadd.s32 v46, v57;
	[tilespmem:$0x5C0] =	vst v58  }
0x71: {  	v62 =	vadd.s32 v52, v59;
	[tilespmem:$0x5D0] =	vst v60  }
0x72: {  	v63 =	vadd.s32 v55, v61;
	[tilespmem:$0x5E0] =	vst v62  }
0x73: {  	[tilespmem:$0x5F0] =	vst v63  }
0x74: {  	[tilespmem:s18], [sflag:$0x1] =	stream.indirect.gather [hbm4b:s2+s10], $0x80, s17, s10, $0xb8;
	[tilespmem:$0x10600] =	vst v63  }
0x75: {  	_ =	swait.ge [sflag:s19], $0x4000  }
0x76: {  	[sflag:s19] =	ssyncset.done $0x0  }
0x77: {  	[sflag:s19] =	ssyncadd.s32 $0xFFFFC000  }
0x78: {  	_ =	swait.ge [sflag:s19], $0x4000  }
0x79: {  	[sflag:s19] =	ssyncset.done $0x0  }
0x7a: {  	[sflag:s19] =	ssyncadd.s32 $0xFFFFC000  }
0x7b: {  	_ =	swait.ge [sflag:s19], $0x4000  }
0x7c: {  	[sflag:s19] =	ssyncset.done $0x0  }
0x7d: {  	[sflag:s19] =	ssyncadd.s32 $0xFFFFC000  }
0x7e: {  	_ =	swait.ge [sflag:s19], $0x4000  }
0x7f: {  	p0 =	sne.s32 s7, $0x1;
	[sflag:s19] =	ssyncset.done $0x0  }
.Ltmp0:
0x80: {  	[sflag:s19] =	ssyncadd.s32 $0xFFFFC000;
	(pc) =	sbr.rel @p0 .LBB2_1-.Ltmp0, $4  }
0x81: {  	[hbm4b:s6+s3] =	stream.linear.scatter [tilespmem:s12], [sflag:$0x3], $0x10000, $0x38;
	[tilespmem:$0x10600] =	vst v63  }
0x82: {  	_ =	swait.ge [sflag:s20], $0x10000  }
0x83: {  	[sflag:s20] =	ssyncset.done $0x0  }
0x84: {  	s7 =	sadd.s32 $0xFFFFFFFF, s7;
	[sflag:s20] =	ssyncadd.s32 $0xFFFF0000  }
0x85: {  	_ =	sfence.sel $0x180000  }
0x86: {  	[bflag:$0x0] =	sbarrier.arrive $0xFFFF  }
0x87: {  	p0 =	sne.s32 s1, $0x0;
	_ =	strace $0x90000047  }
0x88: {  	s0 =	sadd.s32 @!p0 $0x100000, s0;
	[bflag:$0x2] =	sbarrier.arrive $0xFFFF  }
0x89: {  	[sflag:s0] =	ssyncadd.tile.s32 @!p0 $0x1;
	_ =	shalt  }
.Lfunc_end2:
_tile_overlayer_lowered:
.L_overlay_start_2:
0x8a: {  	(tag) =	ssettag $0x2  }
0x8b: {  	s0 =	rddreg [dreg:$0x0];
	s2 =	stileid.u32  }
0x8c: {  	s1 =	rddreg [dreg:$0x1];
	p0 =	sne.s32 s2, $0x0  }
0x8d: {  	s3 =	rddreg [dreg:$0x2];
	[bflag:$0x3] =	sbarrier.arrive $0xFFFF;
	s2 =	simm.s32 @!p0 $0x1C03  }
0x8e: {  	[timem:s3], [sflag:s2] =	dma.local @!p0 [hbm:s0], s1  }
0x8f: {  	s0 =	simm.s32 @!p0 $0x3  }
0x90: {  	_ =	swait.ge @!p0 [sflag:s0], s1  }
0x91: {  	s1 =	ssub.s32 @!p0 $0x0, s1;
	[sflag:s0] =	ssyncset.done @!p0 $0x0  }
0x92: {  	[sflag:s0] =	ssyncadd.s32 @!p0 s1  }
0x93: {  	[bflag:$0x3] =	sbarrier.arrive $0xFFFF  }
0x94: {  	_ =	shalt  }

</sc_bundles>
